<compile_context>
chip_gen: v7x
topology: tpu7x:2x2x1
jax: 0.10.2.dev20260603
libtpu: 0.0.44.dev20260713+nightly
codegen_flags: <defaults>
</compile_context>

<pallas_src>
import functools

import jax
import jax.numpy as jnp
from jax import lax
from jax.experimental import pallas as pl
from jax.experimental.pallas import tpu as pltpu
from jax.experimental.pallas import tpu_sc as plsc

NC = 2
NS = 16
LANES = 16
CHUNK = 80


def _sc_aggregate(n_pad, e_per_w, d):
  rows_per_tile = n_pad // NS
  n_chunks = e_per_w // CHUNK
  zero_copies = rows_per_tile // CHUNK
  mesh = plsc.VectorSubcoreMesh(
      core_axis_name="c", subcore_axis_name="s", num_cores=NC, num_subcores=NS)

  @functools.partial(
      pl.kernel,
      out_type=[
          jax.ShapeDtypeStruct((NC, n_pad, d), jnp.float32),
          jax.ShapeDtypeStruct((NC, n_pad), jnp.float32),
      ],
      mesh=mesh,
      scratch_types=[
          pltpu.VMEM((CHUNK,), jnp.int32),
          pltpu.VMEM((CHUNK,), jnp.int32),
          pltpu.VMEM((CHUNK, d), jnp.float32),
          pltpu.VMEM((CHUNK,), jnp.float32),
          pltpu.VMEM((CHUNK,), jnp.float32),
          pltpu.VMEM_SHARED((n_pad, d), jnp.float32),
          pltpu.VMEM_SHARED((n_pad,), jnp.float32),
          pltpu.SemaphoreType.DMA,
      ],
  )
  def sc_agg(x_hbm, src_hbm, dst_hbm, part_out, cnt_out,
             sidx, didx, rows, ones, zcnt, acc_sh, cnt_sh, sem):
    cid = lax.axis_index("c")
    sid = lax.axis_index("s")
    wid = sid * NC + cid
    ebase = wid * e_per_w
    nbase = sid * rows_per_tile

    for j in range(CHUNK // LANES):
      sl = pl.ds(j * LANES, LANES)
      ones[sl] = jnp.full((LANES,), 1.0, jnp.float32)
      zcnt[sl] = jnp.zeros((LANES,), jnp.float32)

    @pl.loop(0, CHUNK)
    def _(i):
      for j in range(d // LANES):
        rows[i, pl.ds(j * LANES, LANES)] = jnp.zeros((LANES,), jnp.float32)

    @pl.loop(0, zero_copies)
    def _(i):
      off = nbase + i * CHUNK
      pltpu.sync_copy(rows, acc_sh.at[pl.ds(off, CHUNK)])
      pltpu.sync_copy(zcnt, cnt_sh.at[pl.ds(off, CHUNK)])

    plsc.subcore_barrier()

    @pl.loop(0, n_chunks)
    def _(k):
      off = ebase + k * CHUNK
      pltpu.sync_copy(src_hbm.at[pl.ds(off, CHUNK)], sidx)
      pltpu.sync_copy(dst_hbm.at[pl.ds(off, CHUNK)], didx)
      pltpu.async_copy(x_hbm.at[sidx], rows, sem).wait()
      pltpu.sync_copy(rows, acc_sh.at[didx], add=True)
      pltpu.sync_copy(ones, cnt_sh.at[didx], add=True)

    plsc.subcore_barrier()

    sl = pl.ds(nbase, rows_per_tile)
    pltpu.sync_copy(acc_sh.at[sl], part_out.at[cid, sl])
    pltpu.sync_copy(cnt_sh.at[sl], cnt_out.at[cid, sl])

  return sc_agg


def _tc_combine_body(p_ref, c_ref, x_ref, wl_ref, wr_ref, b_ref, o_ref):
  cnt = c_ref[0] + c_ref[1]
  inv = 1.0 / jnp.maximum(cnt, 1.0)
  agg = (p_ref[0] + p_ref[1]) * inv
  acc = jnp.dot(agg, wl_ref[...], preferred_element_type=jnp.float32)
  acc += jnp.dot(x_ref[...], wr_ref[...], preferred_element_type=jnp.float32)
  acc += b_ref[...]
  o_ref[...] = jnp.maximum(acc, 0.0)


def _tc_combine(part, cnt3, x, wl_t, wr_t, b2, n, d, br):
  grid = (n // br,)
  return pl.pallas_call(
      _tc_combine_body,
      grid=grid,
      in_specs=[
          pl.BlockSpec((NC, br, d), lambda i: (0, i, 0)),
          pl.BlockSpec((NC, br, 1), lambda i: (0, i, 0)),
          pl.BlockSpec((br, d), lambda i: (i, 0)),
          pl.BlockSpec((d, d), lambda i: (0, 0)),
          pl.BlockSpec((d, d), lambda i: (0, 0)),
          pl.BlockSpec((1, d), lambda i: (0, 0)),
      ],
      out_specs=pl.BlockSpec((br, d), lambda i: (i, 0)),
      out_shape=jax.ShapeDtypeStruct((n, d), jnp.float32),
  )(part, cnt3, x, wl_t, wr_t, b2)


def kernel(x, edge_index, W_l, b_l, W_r):
  n, d = x.shape
  e = edge_index.shape[1]
  rows_per_tile = -(-n // NS)
  rows_per_tile = -(-rows_per_tile // CHUNK) * CHUNK
  n_pad = rows_per_tile * NS
  e_per_w = -(-e // (NC * NS * CHUNK)) * CHUNK
  e_pad = e_per_w * NC * NS

  src = edge_index[0]
  dst = edge_index[1]
  if e_pad != e:
    pad = e_pad - e
    src = jnp.concatenate([src, jnp.zeros((pad,), jnp.int32)])
    dst = jnp.concatenate([dst, jnp.full((pad,), n_pad - 1, jnp.int32)])

  part, cnt = _sc_aggregate(n_pad, e_per_w, d)(x, src, dst)
  cnt3 = cnt.reshape(NC, n_pad, 1)
  br = 400
  return _tc_combine(part, cnt3, x, W_l.T, W_r.T, b_l[None, :], n, d, br)

# --- scband reference (transcript-rebuilt; emitter-appended) ---
"""Pipeline reference for scband-directional-sageconv-19610820673957 (READ-ONLY COPY).

The authoritative reference and input builder live on the scoring server;
editing this copy changes nothing except your own understanding.
"""

import jax, jax.numpy as jnp
import numpy as np

N = 10000
E = 320000
D = 128


def setup_inputs(seed: int = 0) -> dict:
    key = jax.random.key(seed)
    k1, k2, k3, k4 = jax.random.split(key, 4)
    x = jax.random.normal(k1, (N, D), dtype=jnp.float32)
    edge_index = jax.random.randint(k2, (2, E), 0, N, dtype=jnp.int32)
    # SAGEConv parameters (torch_geometric semantics):
    #   lin_l: Linear(in, out, bias=True)  applied to mean-aggregated neighbors
    #   lin_r: Linear(in, out, bias=False) applied to root/self features
    bound = 1.0 / np.sqrt(D)
    W_l = jax.random.uniform(k3, (D, D), dtype=jnp.float32, minval=-bound, maxval=bound)
    b_l = jnp.zeros((D,), dtype=jnp.float32)
    W_r = jax.random.uniform(k4, (D, D), dtype=jnp.float32, minval=-bound, maxval=bound)
    return {"x": x, "edge_index": edge_index, "W_l": W_l, "b_l": b_l, "W_r": W_r}


def reference(x, edge_index, W_l, b_l, W_r):
    src = edge_index[0]
    dst = edge_index[1]
    # message: gather source-node features along edges
    msgs = jnp.take(x, src, axis=0)
    # mean aggregation at destination nodes
    agg_sum = jax.ops.segment_sum(msgs, dst, num_segments=N)
    cnt = jax.ops.segment_sum(jnp.ones((E,), dtype=x.dtype), dst, num_segments=N)
    agg = agg_sum / jnp.clip(cnt, 1.0, None)[:, None]
    # out = lin_l(agg) + lin_r(x); torch Linear: y = x @ W.T + b
    out = agg @ W_l.T + b_l + x @ W_r.T
    return jax.nn.relu(out)

if __name__ == "__main__":
    import jax
    _d = setup_inputs()
    print(jax.jit(kernel)(*tuple(_d.values())))

</pallas_src>

<mosaic_0001>
#map = affine_map<(d0, d1) -> (0, 0)>
#map1 = affine_map<(d0, d1) -> (0)>
#map2 = affine_map<(d0, d1) -> (0, 0, 0)>
module attributes {stable_mosaic.version = 14 : i64} {
  func.func @sc_agg(%arg0: i32, %arg1: i32, %arg2: memref<10000x128xf32, #tpu.memory_space<hbm>>, %arg3: memref<320000xi32, #tpu.memory_space<hbm>>, %arg4: memref<320000xi32, #tpu.memory_space<hbm>>, %arg5: memref<2x10240x128xf32, #tpu.memory_space<hbm>>, %arg6: memref<2x10240xf32, #tpu.memory_space<hbm>>, %arg7: memref<80xi32, #tpu.memory_space<vmem>>, %arg8: memref<80xi32, #tpu.memory_space<vmem>>, %arg9: memref<80x128xf32, #tpu.memory_space<vmem>>, %arg10: memref<80xf32, #tpu.memory_space<vmem>>, %arg11: memref<80xf32, #tpu.memory_space<vmem>>, %arg12: memref<10240x128xf32, #tpu.memory_space<vmem_shared>>, %arg13: memref<10240xf32, #tpu.memory_space<vmem_shared>>, %arg14: memref<!tpu.dma_semaphore, #tpu.memory_space<semaphore_mem>>) attributes {dimension_semantics = [#tpu.dimension_semantics<core_parallel>, #tpu.dimension_semantics<subcore_parallel>], iteration_bounds = array<i64: 2, 16>, scalar_prefetch = 0 : i64, scratch_operands = 8 : i64, tpu.core_type = #tpu.core_type<sc_vector_subcore>, window_params = [{transform_indices = #map}, {transform_indices = #map1}, {transform_indices = #map1}, {transform_indices = #map2}, {transform_indices = #map}]} {
    %mul3A = arith.constant 2 : i32
    %mul3A_0 = arith.muli %arg1, %mul3A : i32
    %add3A = arith.addi %mul3A_0, %arg0 : i32
    %mul3A_1 = arith.constant 10000 : i32
    %mul3A_2 = arith.muli %add3A, %mul3A_1 : i32
    %mul3A_3 = arith.constant 640 : i32
    %mul3A_4 = arith.muli %arg1, %mul3A_3 : i32
    %broadcast_in_dim3A = arith.constant 1.000000e+00 : f32
    %broadcast_in_dim3A_5 = vector.broadcast %broadcast_in_dim3A : f32 to vector<16xf32>
    %swap3A = arith.constant 0 : index
    %swap3A_6 = tpu.vector_load %arg10[%swap3A] {strides = array<i32>} : memref<80xf32, #tpu.memory_space<vmem>>, vector<16xf32>,
    %swap3A_7 = vector.shape_cast %swap3A_6 : vector<16xf32> to vector<16xf32>
    %swap3A_8 = vector.shape_cast %broadcast_in_dim3A_5 : vector<16xf32> to vector<16xf32>
    tpu.vector_store %arg10[%swap3A], %swap3A_8 {strides = array<i32>} : memref<80xf32, #tpu.memory_space<vmem>>, vector<16xf32>,
    %broadcast_in_dim3A_9 = arith.constant 0.000000e+00 : f32
    %broadcast_in_dim3A_10 = vector.broadcast %broadcast_in_dim3A_9 : f32 to vector<16xf32>
    %swap3A_11 = arith.constant 0 : index
    %swap3A_12 = tpu.vector_load %arg11[%swap3A_11] {strides = array<i32>} : memref<80xf32, #tpu.memory_space<vmem>>, vector<16xf32>,
    %swap3A_13 = vector.shape_cast %swap3A_12 : vector<16xf32> to vector<16xf32>
    %swap3A_14 = vector.shape_cast %broadcast_in_dim3A_10 : vector<16xf32> to vector<16xf32>
    tpu.vector_store %arg11[%swap3A_11], %swap3A_14 {strides = array<i32>} : memref<80xf32, #tpu.memory_space<vmem>>, vector<16xf32>,
    %broadcast_in_dim3A_15 = arith.constant 1.000000e+00 : f32
    %broadcast_in_dim3A_16 = vector.broadcast %broadcast_in_dim3A_15 : f32 to vector<16xf32>
    %swap3A_17 = arith.constant 16 : index
    %swap3A_18 = tpu.vector_load %arg10[%swap3A_17] {strides = array<i32>} : memref<80xf32, #tpu.memory_space<vmem>>, vector<16xf32>,
    %swap3A_19 = vector.shape_cast %swap3A_18 : vector<16xf32> to vector<16xf32>
    %swap3A_20 = vector.shape_cast %broadcast_in_dim3A_16 : vector<16xf32> to vector<16xf32>
    tpu.vector_store %arg10[%swap3A_17], %swap3A_20 {strides = array<i32>} : memref<80xf32, #tpu.memory_space<vmem>>, vector<16xf32>,
    %broadcast_in_dim3A_21 = arith.constant 0.000000e+00 : f32
    %broadcast_in_dim3A_22 = vector.broadcast %broadcast_in_dim3A_21 : f32 to vector<16xf32>
    %swap3A_23 = arith.constant 16 : index
    %swap3A_24 = tpu.vector_load %arg11[%swap3A_23] {strides = array<i32>} : memref<80xf32, #tpu.memory_space<vmem>>, vector<16xf32>,
    %swap3A_25 = vector.shape_cast %swap3A_24 : vector<16xf32> to vector<16xf32>
    %swap3A_26 = vector.shape_cast %broadcast_in_dim3A_22 : vector<16xf32> to vector<16xf32>
    tpu.vector_store %arg11[%swap3A_23], %swap3A_26 {strides = array<i32>} : memref<80xf32, #tpu.memory_space<vmem>>, vector<16xf32>,
    %broadcast_in_dim3A_27 = arith.constant 1.000000e+00 : f32
    %broadcast_in_dim3A_28 = vector.broadcast %broadcast_in_dim3A_27 : f32 to vector<16xf32>
    %swap3A_29 = arith.constant 32 : index
    %swap3A_30 = tpu.vector_load %arg10[%swap3A_29] {strides = array<i32>} : memref<80xf32, #tpu.memory_space<vmem>>, vector<16xf32>,
    %swap3A_31 = vector.shape_cast %swap3A_30 : vector<16xf32> to vector<16xf32>
    %swap3A_32 = vector.shape_cast %broadcast_in_dim3A_28 : vector<16xf32> to vector<16xf32>
    tpu.vector_store %arg10[%swap3A_29], %swap3A_32 {strides = array<i32>} : memref<80xf32, #tpu.memory_space<vmem>>, vector<16xf32>,
    %broadcast_in_dim3A_33 = arith.constant 0.000000e+00 : f32
    %broadcast_in_dim3A_34 = vector.broadcast %broadcast_in_dim3A_33 : f32 to vector<16xf32>
    %swap3A_35 = arith.constant 32 : index
    %swap3A_36 = tpu.vector_load %arg11[%swap3A_35] {strides = array<i32>} : memref<80xf32, #tpu.memory_space<vmem>>, vector<16xf32>,
    %swap3A_37 = vector.shape_cast %swap3A_36 : vector<16xf32> to vector<16xf32>
    %swap3A_38 = vector.shape_cast %broadcast_in_dim3A_34 : vector<16xf32> to vector<16xf32>
    tpu.vector_store %arg11[%swap3A_35], %swap3A_38 {strides = array<i32>} : memref<80xf32, #tpu.memory_space<vmem>>, vector<16xf32>,
    %broadcast_in_dim3A_39 = arith.constant 1.000000e+00 : f32
    %broadcast_in_dim3A_40 = vector.broadcast %broadcast_in_dim3A_39 : f32 to vector<16xf32>
    %swap3A_41 = arith.constant 48 : index
    %swap3A_42 = tpu.vector_load %arg10[%swap3A_41] {strides = array<i32>} : memref<80xf32, #tpu.memory_space<vmem>>, vector<16xf32>,
    %swap3A_43 = vector.shape_cast %swap3A_42 : vector<16xf32> to vector<16xf32>
    %swap3A_44 = vector.shape_cast %broadcast_in_dim3A_40 : vector<16xf32> to vector<16xf32>
    tpu.vector_store %arg10[%swap3A_41], %swap3A_44 {strides = array<i32>} : memref<80xf32, #tpu.memory_space<vmem>>, vector<16xf32>,
    %broadcast_in_dim3A_45 = arith.constant 0.000000e+00 : f32
    %broadcast_in_dim3A_46 = vector.broadcast %broadcast_in_dim3A_45 : f32 to vector<16xf32>
    %swap3A_47 = arith.constant 48 : index
    %swap3A_48 = tpu.vector_load %arg11[%swap3A_47] {strides = array<i32>} : memref<80xf32, #tpu.memory_space<vmem>>, vector<16xf32>,
    %swap3A_49 = vector.shape_cast %swap3A_48 : vector<16xf32> to vector<16xf32>
    %swap3A_50 = vector.shape_cast %broadcast_in_dim3A_46 : vector<16xf32> to vector<16xf32>
    tpu.vector_store %arg11[%swap3A_47], %swap3A_50 {strides = array<i32>} : memref<80xf32, #tpu.memory_space<vmem>>, vector<16xf32>,
    %broadcast_in_dim3A_51 = arith.constant 1.000000e+00 : f32
    %broadcast_in_dim3A_52 = vector.broadcast %broadcast_in_dim3A_51 : f32 to vector<16xf32>
    %swap3A_53 = arith.constant 64 : index
    %swap3A_54 = tpu.vector_load %arg10[%swap3A_53] {strides = array<i32>} : memref<80xf32, #tpu.memory_space<vmem>>, vector<16xf32>,
    %swap3A_55 = vector.shape_cast %swap3A_54 : vector<16xf32> to vector<16xf32>
    %swap3A_56 = vector.shape_cast %broadcast_in_dim3A_52 : vector<16xf32> to vector<16xf32>
    tpu.vector_store %arg10[%swap3A_53], %swap3A_56 {strides = array<i32>} : memref<80xf32, #tpu.memory_space<vmem>>, vector<16xf32>,
    %broadcast_in_dim3A_57 = arith.constant 0.000000e+00 : f32
    %broadcast_in_dim3A_58 = vector.broadcast %broadcast_in_dim3A_57 : f32 to vector<16xf32>
    %swap3A_59 = arith.constant 64 : index
    %swap3A_60 = tpu.vector_load %arg11[%swap3A_59] {strides = array<i32>} : memref<80xf32, #tpu.memory_space<vmem>>, vector<16xf32>,
    %swap3A_61 = vector.shape_cast %swap3A_60 : vector<16xf32> to vector<16xf32>
    %swap3A_62 = vector.shape_cast %broadcast_in_dim3A_58 : vector<16xf32> to vector<16xf32>
    tpu.vector_store %arg11[%swap3A_59], %swap3A_62 {strides = array<i32>} : memref<80xf32, #tpu.memory_space<vmem>>, vector<16xf32>,
    %scan3A = arith.constant 0 : i32
    %scan3A_63 = arith.constant 80 : i32
    %scan3A_64 = arith.addi %scan3A, %scan3A_63 : i32
    %scan3A_65 = arith.constant 1 : i32
    scf.for %scan3A_78 = %scan3A to %scan3A_64 step %scan3A_65  : i32 {
      %mul3A_79 = arith.constant 1 : i32
      %mul3A_80 = arith.muli %scan3A_78, %mul3A_79 : i32
      %add3A_81 = arith.constant 0 : i32
      %add3A_82 = arith.addi %add3A_81, %mul3A_80 : i32
      %broadcast_in_dim3A_83 = arith.constant 0.000000e+00 : f32
      %broadcast_in_dim3A_84 = vector.broadcast %broadcast_in_dim3A_83 : f32 to vector<16xf32>
      %swap3A_85 = arith.index_cast %add3A_82 : i32 to index
      %swap3A_86 = arith.constant 0 : index
      %swap3A_87 = tpu.vector_load %arg9[%swap3A_85, %swap3A_86] {strides = array<i32>} : memref<80x128xf32, #tpu.memory_space<vmem>>, vector<1x16xf32>,
      %swap3A_88 = vector.shape_cast %swap3A_87 : vector<1x16xf32> to vector<16xf32>
      %swap3A_89 = vector.shape_cast %broadcast_in_dim3A_84 : vector<16xf32> to vector<1x16xf32>
      tpu.vector_store %arg9[%swap3A_85, %swap3A_86], %swap3A_89 {strides = array<i32>} : memref<80x128xf32, #tpu.memory_space<vmem>>, vector<1x16xf32>,
      %broadcast_in_dim3A_90 = arith.constant 0.000000e+00 : f32
      %broadcast_in_dim3A_91 = vector.broadcast %broadcast_in_dim3A_90 : f32 to vector<16xf32>
      %swap3A_92 = arith.index_cast %add3A_82 : i32 to index
      %swap3A_93 = arith.constant 16 : index
      %swap3A_94 = tpu.vector_load %arg9[%swap3A_92, %swap3A_93] {strides = array<i32>} : memref<80x128xf32, #tpu.memory_space<vmem>>, vector<1x16xf32>,
      %swap3A_95 = vector.shape_cast %swap3A_94 : vector<1x16xf32> to vector<16xf32>
      %swap3A_96 = vector.shape_cast %broadcast_in_dim3A_91 : vector<16xf32> to vector<1x16xf32>
      tpu.vector_store %arg9[%swap3A_92, %swap3A_93], %swap3A_96 {strides = array<i32>} : memref<80x128xf32, #tpu.memory_space<vmem>>, vector<1x16xf32>,
      %broadcast_in_dim3A_97 = arith.constant 0.000000e+00 : f32
      %broadcast_in_dim3A_98 = vector.broadcast %broadcast_in_dim3A_97 : f32 to vector<16xf32>
      %swap3A_99 = arith.index_cast %add3A_82 : i32 to index
      %swap3A_100 = arith.constant 32 : index
      %swap3A_101 = tpu.vector_load %arg9[%swap3A_99, %swap3A_100] {strides = array<i32>} : memref<80x128xf32, #tpu.memory_space<vmem>>, vector<1x16xf32>,
      %swap3A_102 = vector.shape_cast %swap3A_101 : vector<1x16xf32> to vector<16xf32>
      %swap3A_103 = vector.shape_cast %broadcast_in_dim3A_98 : vector<16xf32> to vector<1x16xf32>
      tpu.vector_store %arg9[%swap3A_99, %swap3A_100], %swap3A_103 {strides = array<i32>} : memref<80x128xf32, #tpu.memory_space<vmem>>, vector<1x16xf32>,
      %broadcast_in_dim3A_104 = arith.constant 0.000000e+00 : f32
      %broadcast_in_dim3A_105 = vector.broadcast %broadcast_in_dim3A_104 : f32 to vector<16xf32>
      %swap3A_106 = arith.index_cast %add3A_82 : i32 to index
      %swap3A_107 = arith.constant 48 : index
      %swap3A_108 = tpu.vector_load %arg9[%swap3A_106, %swap3A_107] {strides = array<i32>} : memref<80x128xf32, #tpu.memory_space<vmem>>, vector<1x16xf32>,
      %swap3A_109 = vector.shape_cast %swap3A_108 : vector<1x16xf32> to vector<16xf32>
      %swap3A_110 = vector.shape_cast %broadcast_in_dim3A_105 : vector<16xf32> to vector<1x16xf32>
      tpu.vector_store %arg9[%swap3A_106, %swap3A_107], %swap3A_110 {strides = array<i32>} : memref<80x128xf32, #tpu.memory_space<vmem>>, vector<1x16xf32>,
      %broadcast_in_dim3A_111 = arith.constant 0.000000e+00 : f32
      %broadcast_in_dim3A_112 = vector.broadcast %broadcast_in_dim3A_111 : f32 to vector<16xf32>
      %swap3A_113 = arith.index_cast %add3A_82 : i32 to index
      %swap3A_114 = arith.constant 64 : index
      %swap3A_115 = tpu.vector_load %arg9[%swap3A_113, %swap3A_114] {strides = array<i32>} : memref<80x128xf32, #tpu.memory_space<vmem>>, vector<1x16xf32>,
      %swap3A_116 = vector.shape_cast %swap3A_115 : vector<1x16xf32> to vector<16xf32>
      %swap3A_117 = vector.shape_cast %broadcast_in_dim3A_112 : vector<16xf32> to vector<1x16xf32>
      tpu.vector_store %arg9[%swap3A_113, %swap3A_114], %swap3A_117 {strides = array<i32>} : memref<80x128xf32, #tpu.memory_space<vmem>>, vector<1x16xf32>,
      %broadcast_in_dim3A_118 = arith.constant 0.000000e+00 : f32
      %broadcast_in_dim3A_119 = vector.broadcast %broadcast_in_dim3A_118 : f32 to vector<16xf32>
      %swap3A_120 = arith.index_cast %add3A_82 : i32 to index
      %swap3A_121 = arith.constant 80 : index
      %swap3A_122 = tpu.vector_load %arg9[%swap3A_120, %swap3A_121] {strides = array<i32>} : memref<80x128xf32, #tpu.memory_space<vmem>>, vector<1x16xf32>,
      %swap3A_123 = vector.shape_cast %swap3A_122 : vector<1x16xf32> to vector<16xf32>
      %swap3A_124 = vector.shape_cast %broadcast_in_dim3A_119 : vector<16xf32> to vector<1x16xf32>
      tpu.vector_store %arg9[%swap3A_120, %swap3A_121], %swap3A_124 {strides = array<i32>} : memref<80x128xf32, #tpu.memory_space<vmem>>, vector<1x16xf32>,
      %broadcast_in_dim3A_125 = arith.constant 0.000000e+00 : f32
      %broadcast_in_dim3A_126 = vector.broadcast %broadcast_in_dim3A_125 : f32 to vector<16xf32>
      %swap3A_127 = arith.index_cast %add3A_82 : i32 to index
      %swap3A_128 = arith.constant 96 : index
      %swap3A_129 = tpu.vector_load %arg9[%swap3A_127, %swap3A_128] {strides = array<i32>} : memref<80x128xf32, #tpu.memory_space<vmem>>, vector<1x16xf32>,
      %swap3A_130 = vector.shape_cast %swap3A_129 : vector<1x16xf32> to vector<16xf32>
      %swap3A_131 = vector.shape_cast %broadcast_in_dim3A_126 : vector<16xf32> to vector<1x16xf32>
      tpu.vector_store %arg9[%swap3A_127, %swap3A_128], %swap3A_131 {strides = array<i32>} : memref<80x128xf32, #tpu.memory_space<vmem>>, vector<1x16xf32>,
      %broadcast_in_dim3A_132 = arith.constant 0.000000e+00 : f32
      %broadcast_in_dim3A_133 = vector.broadcast %broadcast_in_dim3A_132 : f32 to vector<16xf32>
      %swap3A_134 = arith.index_cast %add3A_82 : i32 to index
      %swap3A_135 = arith.constant 112 : index
      %swap3A_136 = tpu.vector_load %arg9[%swap3A_134, %swap3A_135] {strides = array<i32>} : memref<80x128xf32, #tpu.memory_space<vmem>>, vector<1x16xf32>,
      %swap3A_137 = vector.shape_cast %swap3A_136 : vector<1x16xf32> to vector<16xf32>
      %swap3A_138 = vector.shape_cast %broadcast_in_dim3A_133 : vector<16xf32> to vector<1x16xf32>
      tpu.vector_store %arg9[%swap3A_134, %swap3A_135], %swap3A_138 {strides = array<i32>} : memref<80x128xf32, #tpu.memory_space<vmem>>, vector<1x16xf32>,
    }
    %scan3A_66 = arith.constant 80 : i32
    %scan3A_67 = arith.constant 0 : i32
    %scan3A_68 = arith.constant 8 : i32
    %scan3A_69 = arith.addi %scan3A_67, %scan3A_68 : i32
    %scan3A_70 = arith.constant 1 : i32
    scf.for %scan3A_78 = %scan3A_67 to %scan3A_69 step %scan3A_70  : i32 {
      %mul3A_79 = arith.constant 1 : i32
      %mul3A_80 = arith.muli %scan3A_78, %mul3A_79 : i32
      %add3A_81 = arith.constant 0 : i32
      %add3A_82 = arith.addi %add3A_81, %mul3A_80 : i32
      %mul3A_83 = arith.constant 80 : i32
      %mul3A_84 = arith.muli %add3A_82, %mul3A_83 : i32
      %add3A_85 = arith.addi %mul3A_4, %mul3A_84 : i32
      "tpu.region"() ({
        %run_scoped3A = tpu.sem_alloc : memref<!tpu.dma_semaphore, #tpu.memory_space<semaphore_mem>>
        %dma_start3A = arith.constant 0 : i32
        %dma_start3A_86 = tpu.memref_slice %arg12[%add3A_85, %dma_start3A] : memref<10240x128xf32, #tpu.memory_space<vmem_shared>> -> memref<80x128xf32, #tpu.memory_space<vmem_shared>>
        %dma_start3A_87 = arith.constant 0 : i32
        %dma_start3A_88 = tpu.memref_slice %arg12[%add3A_85, %dma_start3A_87] : memref<10240x128xf32, #tpu.memory_space<vmem_shared>> -> memref<80x128xf32, #tpu.memory_space<vmem_shared>>
        tpu.enqueue_dma source(%arg9 : memref<80x128xf32, #tpu.memory_space<vmem>>) target(%dma_start3A_88 : memref<80x128xf32, #tpu.memory_space<vmem_shared>>) target_semaphore(%run_scoped3A : memref<!tpu.dma_semaphore, #tpu.memory_space<semaphore_mem>>)
        %dma_wait3A = arith.constant 0 : i32
        %dma_wait3A_89 = tpu.memref_slice %arg12[%add3A_85, %dma_wait3A] : memref<10240x128xf32, #tpu.memory_space<vmem_shared>> -> memref<80x128xf32, #tpu.memory_space<vmem_shared>>
        %dma_wait3A_90 = arith.constant 0 : i32
        %dma_wait3A_91 = tpu.memref_slice %arg12[%add3A_85, %dma_wait3A_90] : memref<10240x128xf32, #tpu.memory_space<vmem_shared>> -> memref<80x128xf32, #tpu.memory_space<vmem_shared>>
        tpu.wait_dma2 semaphore(%run_scoped3A : memref<!tpu.dma_semaphore, #tpu.memory_space<semaphore_mem>>) src(%arg9 : memref<80x128xf32, #tpu.memory_space<vmem>>) dst(%dma_wait3A_91 : memref<80x128xf32, #tpu.memory_space<vmem_shared>>)
        tpu.yield
      }) : () -> ()
      "tpu.region"() ({
        %run_scoped3A = tpu.sem_alloc : memref<!tpu.dma_semaphore, #tpu.memory_space<semaphore_mem>>
        %dma_start3A = tpu.memref_slice %arg13[%add3A_85] : memref<10240xf32, #tpu.memory_space<vmem_shared>> -> memref<80xf32, #tpu.memory_space<vmem_shared>>
        %dma_start3A_86 = tpu.memref_slice %arg13[%add3A_85] : memref<10240xf32, #tpu.memory_space<vmem_shared>> -> memref<80xf32, #tpu.memory_space<vmem_shared>>
        tpu.enqueue_dma source(%arg11 : memref<80xf32, #tpu.memory_space<vmem>>) target(%dma_start3A_86 : memref<80xf32, #tpu.memory_space<vmem_shared>>) target_semaphore(%run_scoped3A : memref<!tpu.dma_semaphore, #tpu.memory_space<semaphore_mem>>)
        %dma_wait3A = tpu.memref_slice %arg13[%add3A_85] : memref<10240xf32, #tpu.memory_space<vmem_shared>> -> memref<80xf32, #tpu.memory_space<vmem_shared>>
        %dma_wait3A_87 = tpu.memref_slice %arg13[%add3A_85] : memref<10240xf32, #tpu.memory_space<vmem_shared>> -> memref<80xf32, #tpu.memory_space<vmem_shared>>
        tpu.wait_dma2 semaphore(%run_scoped3A : memref<!tpu.dma_semaphore, #tpu.memory_space<semaphore_mem>>) src(%arg11 : memref<80xf32, #tpu.memory_space<vmem>>) dst(%dma_wait3A_87 : memref<80xf32, #tpu.memory_space<vmem_shared>>)
        tpu.yield
      }) : () -> ()
    }
    %scan3A_71 = arith.constant 8 : i32
    %barrier3A = arith.constant 0 : index
    tpu.barrier barrier_id(%barrier3A)
    %scan3A_72 = arith.constant 0 : i32
    %scan3A_73 = arith.constant 125 : i32
    %scan3A_74 = arith.addi %scan3A_72, %scan3A_73 : i32
    %scan3A_75 = arith.constant 1 : i32
    scf.for %scan3A_78 = %scan3A_72 to %scan3A_74 step %scan3A_75  : i32 {
      %mul3A_79 = arith.constant 1 : i32
      %mul3A_80 = arith.muli %scan3A_78, %mul3A_79 : i32
      %add3A_81 = arith.constant 0 : i32
      %add3A_82 = arith.addi %add3A_81, %mul3A_80 : i32
      %mul3A_83 = arith.constant 80 : i32
      %mul3A_84 = arith.muli %add3A_82, %mul3A_83 : i32
      %add3A_85 = arith.addi %mul3A_2, %mul3A_84 : i32
      "tpu.region"() ({
        %run_scoped3A = tpu.sem_alloc : memref<!tpu.dma_semaphore, #tpu.memory_space<semaphore_mem>>
        %dma_start3A_90 = tpu.memref_slice %arg3[%add3A_85] : memref<320000xi32, #tpu.memory_space<hbm>> -> memref<80xi32, #tpu.memory_space<hbm>>
        %dma_start3A_91 = tpu.memref_slice %arg3[%add3A_85] : memref<320000xi32, #tpu.memory_space<hbm>> -> memref<80xi32, #tpu.memory_space<hbm>>
        tpu.enqueue_dma source(%dma_start3A_91 : memref<80xi32, #tpu.memory_space<hbm>>) target(%arg7 : memref<80xi32, #tpu.memory_space<vmem>>) target_semaphore(%run_scoped3A : memref<!tpu.dma_semaphore, #tpu.memory_space<semaphore_mem>>)
        %dma_wait3A_92 = tpu.memref_slice %arg3[%add3A_85] : memref<320000xi32, #tpu.memory_space<hbm>> -> memref<80xi32, #tpu.memory_space<hbm>>
        %dma_wait3A_93 = tpu.memref_slice %arg3[%add3A_85] : memref<320000xi32, #tpu.memory_space<hbm>> -> memref<80xi32, #tpu.memory_space<hbm>>
        tpu.wait_dma2 semaphore(%run_scoped3A : memref<!tpu.dma_semaphore, #tpu.memory_space<semaphore_mem>>) src(%dma_wait3A_93 : memref<80xi32, #tpu.memory_space<hbm>>) dst(%arg7 : memref<80xi32, #tpu.memory_space<vmem>>)
        tpu.yield
      }) : () -> ()
      "tpu.region"() ({
        %run_scoped3A = tpu.sem_alloc : memref<!tpu.dma_semaphore, #tpu.memory_space<semaphore_mem>>
        %dma_start3A_90 = tpu.memref_slice %arg4[%add3A_85] : memref<320000xi32, #tpu.memory_space<hbm>> -> memref<80xi32, #tpu.memory_space<hbm>>
        %dma_start3A_91 = tpu.memref_slice %arg4[%add3A_85] : memref<320000xi32, #tpu.memory_space<hbm>> -> memref<80xi32, #tpu.memory_space<hbm>>
        tpu.enqueue_dma source(%dma_start3A_91 : memref<80xi32, #tpu.memory_space<hbm>>) target(%arg8 : memref<80xi32, #tpu.memory_space<vmem>>) target_semaphore(%run_scoped3A : memref<!tpu.dma_semaphore, #tpu.memory_space<semaphore_mem>>)
        %dma_wait3A_92 = tpu.memref_slice %arg4[%add3A_85] : memref<320000xi32, #tpu.memory_space<hbm>> -> memref<80xi32, #tpu.memory_space<hbm>>
        %dma_wait3A_93 = tpu.memref_slice %arg4[%add3A_85] : memref<320000xi32, #tpu.memory_space<hbm>> -> memref<80xi32, #tpu.memory_space<hbm>>
        tpu.wait_dma2 semaphore(%run_scoped3A : memref<!tpu.dma_semaphore, #tpu.memory_space<semaphore_mem>>) src(%dma_wait3A_93 : memref<80xi32, #tpu.memory_space<hbm>>) dst(%arg8 : memref<80xi32, #tpu.memory_space<vmem>>)
        tpu.yield
      }) : () -> ()
      %dma_start3A = arith.constant 0 : i32
      %dma_start3A_86 = arith.constant 0 : i32
      %dma_start3A_87 = tpu.memref_slice %arg2[%dma_start3A, %dma_start3A_86] : memref<10000x128xf32, #tpu.memory_space<hbm>> -> memref<10000x128xf32, #tpu.memory_space<hbm>>
      tpu.enqueue_indirect_dma source(%dma_start3A_87 : memref<10000x128xf32, #tpu.memory_space<hbm>>) target(%arg9 : memref<80x128xf32, #tpu.memory_space<vmem>>) offsets(%arg7 : memref<80xi32, #tpu.memory_space<vmem>>) semaphore(%arg14 : memref<!tpu.dma_semaphore, #tpu.memory_space<semaphore_mem>>)
      %dma_wait3A = arith.constant 0 : i32
      %dma_wait3A_88 = arith.constant 0 : i32
      %dma_wait3A_89 = tpu.memref_slice %arg2[%dma_wait3A, %dma_wait3A_88] : memref<10000x128xf32, #tpu.memory_space<hbm>> -> memref<10000x128xf32, #tpu.memory_space<hbm>>
      tpu.wait_indirect_dma semaphore(%arg14 : memref<!tpu.dma_semaphore, #tpu.memory_space<semaphore_mem>>) src(%dma_wait3A_89 : memref<10000x128xf32, #tpu.memory_space<hbm>>) dst(%arg9 : memref<80x128xf32, #tpu.memory_space<vmem>>)
      "tpu.region"() ({
        %run_scoped3A = tpu.sem_alloc : memref<!tpu.dma_semaphore, #tpu.memory_space<semaphore_mem>>
        %dma_start3A_90 = arith.constant 0 : i32
        %dma_start3A_91 = arith.constant 0 : i32
        %dma_start3A_92 = tpu.memref_slice %arg12[%dma_start3A_90, %dma_start3A_91] : memref<10240x128xf32, #tpu.memory_space<vmem_shared>> -> memref<10240x128xf32, #tpu.memory_space<vmem_shared>>
        tpu.enqueue_indirect_dma source(%arg9 : memref<80x128xf32, #tpu.memory_space<vmem>>) target(%dma_start3A_92 : memref<10240x128xf32, #tpu.memory_space<vmem_shared>>) offsets(%arg8 : memref<80xi32, #tpu.memory_space<vmem>>) semaphore(%run_scoped3A : memref<!tpu.dma_semaphore, #tpu.memory_space<semaphore_mem>>) {add = true}
        %dma_wait3A_93 = arith.constant 0 : i32
        %dma_wait3A_94 = arith.constant 0 : i32
        %dma_wait3A_95 = tpu.memref_slice %arg12[%dma_wait3A_93, %dma_wait3A_94] : memref<10240x128xf32, #tpu.memory_space<vmem_shared>> -> memref<10240x128xf32, #tpu.memory_space<vmem_shared>>
        tpu.wait_indirect_dma semaphore(%run_scoped3A : memref<!tpu.dma_semaphore, #tpu.memory_space<semaphore_mem>>) src(%arg9 : memref<80x128xf32, #tpu.memory_space<vmem>>) dst(%dma_wait3A_95 : memref<10240x128xf32, #tpu.memory_space<vmem_shared>>)
        tpu.yield
      }) : () -> ()
      "tpu.region"() ({
        %run_scoped3A = tpu.sem_alloc : memref<!tpu.dma_semaphore, #tpu.memory_space<semaphore_mem>>
        %dma_start3A_90 = arith.constant 0 : i32
        %dma_start3A_91 = tpu.memref_slice %arg13[%dma_start3A_90] : memref<10240xf32, #tpu.memory_space<vmem_shared>> -> memref<10240xf32, #tpu.memory_space<vmem_shared>>
        tpu.enqueue_indirect_dma source(%arg10 : memref<80xf32, #tpu.memory_space<vmem>>) target(%dma_start3A_91 : memref<10240xf32, #tpu.memory_space<vmem_shared>>) offsets(%arg8 : memref<80xi32, #tpu.memory_space<vmem>>) semaphore(%run_scoped3A : memref<!tpu.dma_semaphore, #tpu.memory_space<semaphore_mem>>) {add = true}
        %dma_wait3A_92 = arith.constant 0 : i32
        %dma_wait3A_93 = tpu.memref_slice %arg13[%dma_wait3A_92] : memref<10240xf32, #tpu.memory_space<vmem_shared>> -> memref<10240xf32, #tpu.memory_space<vmem_shared>>
        tpu.wait_indirect_dma semaphore(%run_scoped3A : memref<!tpu.dma_semaphore, #tpu.memory_space<semaphore_mem>>) src(%arg10 : memref<80xf32, #tpu.memory_space<vmem>>) dst(%dma_wait3A_93 : memref<10240xf32, #tpu.memory_space<vmem_shared>>)
        tpu.yield
      }) : () -> ()
    }
    %scan3A_76 = arith.constant 125 : i32
    %barrier3A_77 = arith.constant 0 : index
    tpu.barrier barrier_id(%barrier3A_77)
    "tpu.region"() ({
      %run_scoped3A = tpu.sem_alloc : memref<!tpu.dma_semaphore, #tpu.memory_space<semaphore_mem>>
      %dma_start3A = arith.constant 0 : i32
      %dma_start3A_78 = tpu.memref_slice %arg5[%arg0, %mul3A_4, %dma_start3A] : memref<2x10240x128xf32, #tpu.memory_space<hbm>> -> memref<1x640x128xf32, #tpu.memory_space<hbm>>
      %dma_start3A_79 = tpu.memref_squeeze %dma_start3A_78 : memref<1x640x128xf32, #tpu.memory_space<hbm>> -> memref<640x128xf32, #tpu.memory_space<hbm>>
      %dma_start3A_80 = arith.constant 0 : i32
      %dma_start3A_81 = tpu.memref_slice %arg12[%mul3A_4, %dma_start3A_80] : memref<10240x128xf32, #tpu.memory_space<vmem_shared>> -> memref<640x128xf32, #tpu.memory_space<vmem_shared>>
      tpu.enqueue_dma source(%dma_start3A_81 : memref<640x128xf32, #tpu.memory_space<vmem_shared>>) target(%dma_start3A_79 : memref<640x128xf32, #tpu.memory_space<hbm>>) target_semaphore(%run_scoped3A : memref<!tpu.dma_semaphore, #tpu.memory_space<semaphore_mem>>)
      %dma_wait3A = arith.constant 0 : i32
      %dma_wait3A_82 = tpu.memref_slice %arg5[%arg0, %mul3A_4, %dma_wait3A] : memref<2x10240x128xf32, #tpu.memory_space<hbm>> -> memref<1x640x128xf32, #tpu.memory_space<hbm>>
      %dma_wait3A_83 = tpu.memref_squeeze %dma_wait3A_82 : memref<1x640x128xf32, #tpu.memory_space<hbm>> -> memref<640x128xf32, #tpu.memory_space<hbm>>
      %dma_wait3A_84 = arith.constant 0 : i32
      %dma_wait3A_85 = tpu.memref_slice %arg12[%mul3A_4, %dma_wait3A_84] : memref<10240x128xf32, #tpu.memory_space<vmem_shared>> -> memref<640x128xf32, #tpu.memory_space<vmem_shared>>
      tpu.wait_dma2 semaphore(%run_scoped3A : memref<!tpu.dma_semaphore, #tpu.memory_space<semaphore_mem>>) src(%dma_wait3A_85 : memref<640x128xf32, #tpu.memory_space<vmem_shared>>) dst(%dma_wait3A_83 : memref<640x128xf32, #tpu.memory_space<hbm>>)
      tpu.yield
    }) : () -> ()
    "tpu.region"() ({
      %run_scoped3A = tpu.sem_alloc : memref<!tpu.dma_semaphore, #tpu.memory_space<semaphore_mem>>
      %dma_start3A = tpu.memref_slice %arg6[%arg0, %mul3A_4] : memref<2x10240xf32, #tpu.memory_space<hbm>> -> memref<1x640xf32, #tpu.memory_space<hbm>>
      %dma_start3A_78 = tpu.memref_squeeze %dma_start3A : memref<1x640xf32, #tpu.memory_space<hbm>> -> memref<640xf32, #tpu.memory_space<hbm>>
      %dma_start3A_79 = tpu.memref_slice %arg13[%mul3A_4] : memref<10240xf32, #tpu.memory_space<vmem_shared>> -> memref<640xf32, #tpu.memory_space<vmem_shared>>
      tpu.enqueue_dma source(%dma_start3A_79 : memref<640xf32, #tpu.memory_space<vmem_shared>>) target(%dma_start3A_78 : memref<640xf32, #tpu.memory_space<hbm>>) target_semaphore(%run_scoped3A : memref<!tpu.dma_semaphore, #tpu.memory_space<semaphore_mem>>)
      %dma_wait3A = tpu.memref_slice %arg6[%arg0, %mul3A_4] : memref<2x10240xf32, #tpu.memory_space<hbm>> -> memref<1x640xf32, #tpu.memory_space<hbm>>
      %dma_wait3A_80 = tpu.memref_squeeze %dma_wait3A : memref<1x640xf32, #tpu.memory_space<hbm>> -> memref<640xf32, #tpu.memory_space<hbm>>
      %dma_wait3A_81 = tpu.memref_slice %arg13[%mul3A_4] : memref<10240xf32, #tpu.memory_space<vmem_shared>> -> memref<640xf32, #tpu.memory_space<vmem_shared>>
      tpu.wait_dma2 semaphore(%run_scoped3A : memref<!tpu.dma_semaphore, #tpu.memory_space<semaphore_mem>>) src(%dma_wait3A_81 : memref<640xf32, #tpu.memory_space<vmem_shared>>) dst(%dma_wait3A_80 : memref<640xf32, #tpu.memory_space<hbm>>)
      tpu.yield
    }) : () -> ()
    return
  }
}

module attributes {stable_mosaic.version = 14 : i64} {
  func.func @_tc_combine_body(%arg0: i32, %arg1: memref<2x400x128xf32, #tpu.memory_space<vmem>>, %arg2: memref<2x400x1xf32, #tpu.memory_space<vmem>>, %arg3: memref<400x128xf32, #tpu.memory_space<vmem>>, %arg4: memref<128x128xf32, #tpu.memory_space<vmem>>, %arg5: memref<128x128xf32, #tpu.memory_space<vmem>>, %arg6: memref<1x128xf32, #tpu.memory_space<vmem>>, %arg7: memref<400x128xf32, #tpu.memory_space<vmem>>) attributes {dimension_semantics = [#tpu.dimension_semantics<arbitrary>], iteration_bounds = array<i64: 25>, scalar_prefetch = 0 : i64, scratch_operands = 0 : i64, tpu.core_type = #tpu.core_type<tc>, window_params = [{transform_indices = @transform_0, window_bounds = array<i64: 2, 400, 128>}, {transform_indices = @transform_1, window_bounds = array<i64: 2, 400, 1>}, {transform_indices = @transform_2, window_bounds = array<i64: 400, 128>}, {pipeline_mode = #tpu.pipeline_mode<synchronous>, transform_indices = @transform_3, window_bounds = array<i64: 128, 128>}, {pipeline_mode = #tpu.pipeline_mode<synchronous>, transform_indices = @transform_4, window_bounds = array<i64: 128, 128>}, {pipeline_mode = #tpu.pipeline_mode<synchronous>, transform_indices = @transform_5, window_bounds = array<i64: 1, 128>}, {transform_indices = @transform_6, window_bounds = array<i64: 400, 128>}]} {
    %get3A = arith.constant 0 : index
    %get3A_0 = arith.constant 0 : index
    %get3A_1 = arith.constant 0 : index
    %get3A_2 = vector.load %arg2[%get3A, %get3A_0, %get3A_1] : memref<2x400x1xf32, #tpu.memory_space<vmem>>, vector<1x400x1xf32>
    %get3A_3 = vector.shape_cast %get3A_2 : vector<1x400x1xf32> to vector<400x1xf32>
    %get3A_4 = arith.constant 1 : index
    %get3A_5 = arith.constant 0 : index
    %get3A_6 = arith.constant 0 : index
    %get3A_7 = vector.load %arg2[%get3A_4, %get3A_5, %get3A_6] : memref<2x400x1xf32, #tpu.memory_space<vmem>>, vector<1x400x1xf32>
    %get3A_8 = vector.shape_cast %get3A_7 : vector<1x400x1xf32> to vector<400x1xf32>
    %add3A = arith.addf %get3A_3, %get3A_8 : vector<400x1xf32>
    %max3A = arith.constant 1.000000e+00 : f32
    %max3A_9 = vector.broadcast %max3A : f32 to vector<400x1xf32>
    %max3A_10 = arith.maximumf %add3A, %max3A_9 : vector<400x1xf32>
    %div3A = arith.constant 1.000000e+00 : f32
    %div3A_11 = vector.broadcast %div3A : f32 to vector<400x1xf32>
    %div3A_12 = arith.divf %div3A_11, %max3A_10 : vector<400x1xf32>
    %get3A_13 = arith.constant 0 : index
    %get3A_14 = arith.constant 0 : index
    %get3A_15 = arith.constant 0 : index
    %get3A_16 = vector.load %arg1[%get3A_13, %get3A_14, %get3A_15] : memref<2x400x128xf32, #tpu.memory_space<vmem>>, vector<1x400x128xf32>
    %get3A_17 = vector.shape_cast %get3A_16 : vector<1x400x128xf32> to vector<400x128xf32>
    %get3A_18 = arith.constant 1 : index
    %get3A_19 = arith.constant 0 : index
    %get3A_20 = arith.constant 0 : index
    %get3A_21 = vector.load %arg1[%get3A_18, %get3A_19, %get3A_20] : memref<2x400x128xf32, #tpu.memory_space<vmem>>, vector<1x400x128xf32>
    %get3A_22 = vector.shape_cast %get3A_21 : vector<1x400x128xf32> to vector<400x128xf32>
    %add3A_23 = arith.addf %get3A_17, %get3A_22 : vector<400x128xf32>
    %mul3A = vector.broadcast %div3A_12 : vector<400x1xf32> to vector<400x128xf32>
    %mul3A_24 = arith.mulf %add3A_23, %mul3A : vector<400x128xf32>
    %get3A_25 = arith.constant 0 : index
    %get3A_26 = arith.constant 0 : index
    %get3A_27 = vector.load %arg4[%get3A_25, %get3A_26] : memref<128x128xf32, #tpu.memory_space<vmem>>, vector<128x128xf32>
    %dot_general3A = arith.constant dense<0.000000e+00> : vector<400x128xf32>
    %dot_general3A_28 = tpu.matmul %mul3A_24, %get3A_27, %dot_general3A {dimension_numbers = #tpu.dot_dimension_numbers<[1], [0], [0], [1], [0, 0, 1, 1], [], []>, transpose_lhs_hint = false} : vector<400x128xf32>, vector<128x128xf32>, vector<400x128xf32> -> vector<400x128xf32>
    %get3A_29 = arith.constant 0 : index
    %get3A_30 = arith.constant 0 : index
    %get3A_31 = vector.load %arg3[%get3A_29, %get3A_30] : memref<400x128xf32, #tpu.memory_space<vmem>>, vector<400x128xf32>
    %get3A_32 = arith.constant 0 : index
    %get3A_33 = arith.constant 0 : index
    %get3A_34 = vector.load %arg5[%get3A_32, %get3A_33] : memref<128x128xf32, #tpu.memory_space<vmem>>, vector<128x128xf32>
    %dot_general3A_35 = arith.constant dense<0.000000e+00> : vector<400x128xf32>
    %dot_general3A_36 = tpu.matmul %get3A_31, %get3A_34, %dot_general3A_35 {dimension_numbers = #tpu.dot_dimension_numbers<[1], [0], [0], [1], [0, 0, 1, 1], [], []>, transpose_lhs_hint = false} : vector<400x128xf32>, vector<128x128xf32>, vector<400x128xf32> -> vector<400x128xf32>
    %add3A_37 = arith.addf %dot_general3A_28, %dot_general3A_36 : vector<400x128xf32>
    %get3A_38 = arith.constant 0 : index
    %get3A_39 = arith.constant 0 : index
    %get3A_40 = vector.load %arg6[%get3A_38, %get3A_39] : memref<1x128xf32, #tpu.memory_space<vmem>>, vector<1x128xf32>
    %add3A_41 = vector.broadcast %get3A_40 : vector<1x128xf32> to vector<400x128xf32>
    %add3A_42 = arith.addf %add3A_37, %add3A_41 : vector<400x128xf32>
    %max3A_43 = arith.constant 0.000000e+00 : f32
    %max3A_44 = vector.broadcast %max3A_43 : f32 to vector<400x128xf32>
    %max3A_45 = arith.maximumf %add3A_42, %max3A_44 : vector<400x128xf32>
    %swap3A = arith.constant 0 : index
    %swap3A_46 = arith.constant 0 : index
    %swap3A_47 = vector.load %arg7[%swap3A, %swap3A_46] : memref<400x128xf32, #tpu.memory_space<vmem>>, vector<400x128xf32>
    tpu.vector_store %arg7[%swap3A, %swap3A_46], %max3A_45 {strides = array<i32>} : memref<400x128xf32, #tpu.memory_space<vmem>>, vector<400x128xf32>,
    return
  }
  func.func @transform_0(%arg0: i32) -> (i32, i32, i32) {
    %c0_i32 = arith.constant 0 : i32
    %c0_i32_0 = arith.constant 0 : i32
    %c0_i32_1 = arith.constant 0 : i32
    return %c0_i32, %arg0, %c0_i32_0 : i32, i32, i32
  }
  func.func @transform_1(%arg0: i32) -> (i32, i32, i32) {
    %c0_i32 = arith.constant 0 : i32
    %c0_i32_0 = arith.constant 0 : i32
    %c0_i32_1 = arith.constant 0 : i32
    return %c0_i32, %arg0, %c0_i32_0 : i32, i32, i32
  }
  func.func @transform_2(%arg0: i32) -> (i32, i32) {
    %c0_i32 = arith.constant 0 : i32
    %c0_i32_0 = arith.constant 0 : i32
    return %arg0, %c0_i32 : i32, i32
  }
  func.func @transform_3(%arg0: i32) -> (i32, i32) {
    %c0_i32 = arith.constant 0 : i32
    %c0_i32_0 = arith.constant 0 : i32
    %c0_i32_1 = arith.constant 0 : i32
    return %c0_i32, %c0_i32_0 : i32, i32
  }
  func.func @transform_4(%arg0: i32) -> (i32, i32) {
    %c0_i32 = arith.constant 0 : i32
    %c0_i32_0 = arith.constant 0 : i32
    %c0_i32_1 = arith.constant 0 : i32
    return %c0_i32, %c0_i32_0 : i32, i32
  }
  func.func @transform_5(%arg0: i32) -> (i32, i32) {
    %c0_i32 = arith.constant 0 : i32
    %c0_i32_0 = arith.constant 0 : i32
    %c0_i32_1 = arith.constant 0 : i32
    return %c0_i32, %c0_i32_0 : i32, i32
  }
  func.func @transform_6(%arg0: i32) -> (i32, i32) {
    %c0_i32 = arith.constant 0 : i32
    %c0_i32_0 = arith.constant 0 : i32
    return %arg0, %c0_i32 : i32, i32
  }
}

</mosaic_0001>

<sc_bundles>
// kernel: kernel.4.cloned.1.call-start
scs
__scs_entry_jumppad:
0x0: {  	(pc) =	sbr.rel $0x88, $3  }
0x1: {  	(tag) =	ssettag $0x0;
	lr =	simm.s32 $0x1  }
0x2: {  	[smem:$0x3F9C] =	sst lr;
	_ =	strace $0xD0000000  }
0x3: {  	_ = 	snop  }
0x4: {  	_ = 	snop  }
0x5: {  	_ = 	snop  }
0x6: {  	_ = 	snop  }
0x7: {  	_ = 	snop  }
__scs_overlays_trampoline_lowered:
0x8: {  	[smem:$0x3FAB] =	sst s0  }
0x9: {  	[smem:$0x3FAC] =	sst s1  }
0xa: {  	[smem:$0x3FAD] =	sst s2  }
0xb: {  	[smem:$0x3FAE] =	sst s3  }
0xc: {  	[smem:$0x3FAF] =	sst s4  }
0xd: {  	[smem:$0x3FB0] =	sst s5  }
0xe: {  	[smem:$0x3FB1] =	sst s6  }
0xf: {  	[smem:$0x3FB2] =	sst s7  }
0x10: {  	[smem:$0x3FB3] =	sst s8  }
0x11: {  	[smem:$0x3FB4] =	sst s9;
	s0 =	simm.s32 @!p0 $0x0  }
0x12: {  	s1 =	sld [smem:$0x3F9A];
	s0 =	simm.s32 @p0 $0x1  }
0x13: {  	[smem:$0x3FB5] =	sst s0;
	s0 =	simm.s32 @!p1 $0x0  }
0x14: {  	s2 =	sld [smem:$0x3F99];
	s0 =	simm.s32 @p1 $0x1  }
0x15: {  	[smem:$0x3FB6] =	sst s0;
	s0 =	simm.s32 @!p2 $0x0  }
0x16: {  	s3 =	sld [smem:$0x3FDB];
	s0 =	simm.s32 @p2 $0x1  }
0x17: {  	s4 =	simm.s32 $0x1BF5;
	[smem:$0x3FB8] =	sst s0  }
0x18: {  	s0 =	sld [smem:$0x3F9B];
	_ =	swait.ge [sflag:s4], $0x0  }
0x19: {  	s7 =	sld [smem:$0x3F9C]  }
0x1a: {  	s8 =	sadd.s32 $0xFFFFE003, lr  }
0x1b: {  	s9 =	sadd.s32 $0xFFFFFEF7, lr;
	s5 =	simm.s32 $0xFFFFFFFF;
	p2 =	slt.u32 s8, $0xFFFFF086  }
0x1c: {  	p1 =	slt.u32 s9, $0xF7A;
	s5 =	simm.s32 @!p2 $0x0  }
0x1d: {  	s5 =	simm.s32 @p1 $0x1;
	p0 =	seq.s32 s7, s2  }
0x1e: {  	s7 =	smul.u32 @!p0 $0xF7A, s2;
	p2 =	seq.s32 @!p0 s5, $0x0  }
0x1f: {  	s9 =	smul.u32 $0xF7A, s1;
	s8 =	simm.s32 @!p0 $0x1BF5;
	p2 =	por !p2, p0  }
0x20: {  	[sflag:s8] =	ssyncset.s32 @!p0 $0xFFFFF086;
	s6 =	sadd.s32 @!p0 s3, s7;
	s7 =	simm.s32 @!p0 $0x108  }
0x21: {  	s3 =	sadd.s32 s3, s9;
	s6 =	sadd.s32 @!p0 $0x88, s6;
	s7 =	simm.s32 @p2 $0x1082  }
0x22: {  	[simem:s7], [sflag:s8] =	dma.local @!p0 [hbm:s6], $0xF7A  }
0x23: {  	s9 =	sor.u32 $0xD0000000, s2;
	s6 =	simm.s32 $0x108;
	_ =	swait.ge @!p0 [sflag:s8], $0x0  }
0x24: {  	s3 =	sadd.s32 $0x88, s3;
	s6 =	simm.s32 @!p1 $0x1082;
	[sflag:s4] =	ssyncset.s32 $0xFFFFF086  }
0x25: {  	[simem:s6], [sflag:s4] =	dma.local [hbm:s3], $0xF7A  }
0x26: {  	[smem:$0x3F9C] =	sst s1;
	(tag) =	ssettag s2;
	_ =	strace s9  }
0x27: {  	s1 =	sld [smem:$0x3FAC]  }
0x28: {  	s2 =	sld [smem:$0x3FAD]  }
0x29: {  	s4 =	sld [smem:$0x3FAF]  }
0x2a: {  	p0 =	seq.s32 s5, $0x0;
	s5 =	sld [smem:$0x3FB0]  }
0x2b: {  	s6 =	sld [smem:$0x3FB1]  }
0x2c: {  	s7 =	sld [smem:$0x3FB2]  }
0x2d: {  	s3 =	simm.s32 $0x108;
	s8 =	sld [smem:$0x3FB3]  }
0x2e: {  	s3 =	simm.s32 @!p0 $0x1082;
	s9 =	sld [smem:$0x3FB4]  }
0x2f: {  	lr =	sadd.s32 s0, s3;
	s0 =	sld [smem:$0x3FAB]  }
0x30: {  	s3 =	sld [smem:$0x3FAE]  }
0x31: {  	[smem:$0x3FB7] =	sst s10  }
0x32: {  	s10 =	sld [smem:$0x3FB5];
	_ =	sdelay $0x3  }
0x33: {  	p0 =	seq.s32 s10, $0x1;
	s10 =	sld [smem:$0x3FB7];
	_ =	sdelay $0x3  }
0x34: {  	[smem:$0x3FB7] =	sst s10  }
0x35: {  	s10 =	sld [smem:$0x3FB6];
	_ =	sdelay $0x3  }
0x36: {  	p1 =	seq.s32 s10, $0x1;
	s10 =	sld [smem:$0x3FB7];
	_ =	sdelay $0x3  }
0x37: {  	[smem:$0x3FB7] =	sst s10  }
0x38: {  	s10 =	sld [smem:$0x3FB8]  }
0x39: {  	_ = 	snop;
	(pc) =	sbr.ind lr, $3  }
0x3a: {  	_ = 	snop  }
0x3b: {  	_ = 	snop  }
0x3c: {  	p2 =	seq.s32 s10, $0x1;
	s10 =	sld [smem:$0x3FB7]  }
0x3d: {  	_ =	shalt  }
0x3e: {  	_ =	shalt  }
0x3f: {  	_ =	shalt  }
0x40: {  	_ =	shalt  }
0x41: {  	_ =	shalt  }
0x42: {  	_ =	shalt  }
0x43: {  	_ =	shalt  }
0x44: {  	_ =	shalt  }
0x45: {  	_ =	shalt  }
0x46: {  	_ =	shalt  }
0x47: {  	_ =	shalt  }
0x48: {  	_ =	shalt  }
0x49: {  	_ =	shalt  }
0x4a: {  	_ =	shalt  }
0x4b: {  	_ =	shalt  }
0x4c: {  	_ =	shalt  }
0x4d: {  	_ =	shalt  }
0x4e: {  	_ =	shalt  }
0x4f: {  	_ =	shalt  }
0x50: {  	_ =	shalt  }
0x51: {  	_ =	shalt  }
0x52: {  	_ =	shalt  }
0x53: {  	_ =	shalt  }
0x54: {  	_ =	shalt  }
0x55: {  	_ =	shalt  }
0x56: {  	_ =	shalt  }
0x57: {  	_ =	shalt  }
0x58: {  	_ =	shalt  }
0x59: {  	_ =	shalt  }
0x5a: {  	_ =	shalt  }
0x5b: {  	_ =	shalt  }
0x5c: {  	_ =	shalt  }
0x5d: {  	_ =	shalt  }
0x5e: {  	_ =	shalt  }
0x5f: {  	_ =	shalt  }
0x60: {  	_ =	shalt  }
0x61: {  	_ =	shalt  }
0x62: {  	_ =	shalt  }
0x63: {  	_ =	shalt  }
0x64: {  	_ =	shalt  }
0x65: {  	_ =	shalt  }
0x66: {  	_ =	shalt  }
0x67: {  	_ =	shalt  }
0x68: {  	_ =	shalt  }
0x69: {  	_ =	shalt  }
0x6a: {  	_ =	shalt  }
0x6b: {  	_ =	shalt  }
0x6c: {  	_ =	shalt  }
0x6d: {  	_ =	shalt  }
0x6e: {  	_ =	shalt  }
0x6f: {  	_ =	shalt  }
0x70: {  	_ =	shalt  }
0x71: {  	_ =	shalt  }
0x72: {  	_ =	shalt  }
0x73: {  	_ =	shalt  }
0x74: {  	_ =	shalt  }
0x75: {  	_ =	shalt  }
0x76: {  	_ =	shalt  }
0x77: {  	_ =	shalt  }
0x78: {  	_ =	shalt  }
0x79: {  	_ =	shalt  }
0x7a: {  	_ =	shalt  }
0x7b: {  	_ =	shalt  }
0x7c: {  	_ =	shalt  }
0x7d: {  	_ =	shalt  }
0x7e: {  	_ =	shalt  }
0x7f: {  	_ =	shalt  }
0x80: {  	_ =	shalt  }
0x81: {  	_ =	shalt  }
0x82: {  	_ =	shalt  }
0x83: {  	_ =	shalt  }
0x84: {  	_ =	shalt  }
0x85: {  	_ =	shalt  }
0x86: {  	_ =	shalt  }
0x87: {  	_ =	shalt  }
.Lfunc_end0:
.L_simem_size_0:
called_computation_lowered:
.L_overlay_start_0:
0x88: {  	s2 =	sld [smem:$0x3FD9]  }
0x89: {  	s3 =	sld [smem:$0x3FFE];
	_ =	sdelay $0x1  }
0x8a: {  	s1 =	srdreg.scid  }
0x8b: {  	s0 =	sand.u32 $0x1, s1  }
0x8c: {  	s17 =	sshll.u32 s0, $0xA;
	s2 =	sadd.s32 s3, s2  }
0x8d: {  	s2 =	sadd.s32 s2, s17  }
0x8e: {  	[smem:$0x3FC3] =	sst s2  }
0x8f: {  	_ = 	snop  }
0x90: {  	s2 =	sld [smem:$0x3FC9]  }
0x91: {  	s18 =	sld [smem:$0x3FD0];
	(tm) =	ssettm $0x1  }
0x92: {  	s4 =	sld [smem:$0x3FFB];
	_ =	sdelay $0x3  }
0x93: {  	_ =	strace s4  }
0x94: {  	s4 =	sld [smem:$0x3FFC];
	_ =	sdelay $0x3  }
0x95: {  	_ =	strace s4  }
0x96: {  	s4 =	sld [smem:$0x3FFD];
	_ =	sdelay $0x3  }
0x97: {  	_ =	strace s4  }
0x98: {  	_ =	strace $0x8FFFFFFF  }
0x99: {  	s19 =	sld [smem:$0x3FDB];
	_ =	sdelay $0x1  }
0x9a: {  	s5 =	simm.s32 $_scs_section_size  }
0x9b: {  	s6 =	simm.s32 $_size__tile_overlayer_lowered;
	s7 =	simm.s32 $_tile_overlayer_lowered  }
0x9c: {  	s22 =	simm.s32 $0x1BFF;
	s21 =	sshll.u32 s7, $0x1;
	s4 =	sadd.s32 s5, s19  }
0x9d: {  	s8 =	simm.s32 $0x0;
	s20 =	sshll.u32 s6, $0x1;
	s6 =	sadd.s32 s21, s4  }
0x9e: {  	[timem:s8], [sflag:s22] =	dma.local [hbm:s6], s20  }
0x9f: {  	_ =	swait.ge [sflag:s22], s20  }
0xa0: {  	s5 =	ssub.s32 $0x0, s20;
	[sflag:s22] =	ssyncset.done $0x0  }
0xa1: {  	[sflag:s22] =	ssyncadd.s32 s5;
	_ =	sdelay $0x1  }
0xa2: {  	s23 =	simm.s32 $0x1B8B  }
0xa3: {  	_ =	swait.ge [sflag:s23], $0x1  }
0xa4: {  	[sflag:s23] =	ssyncset.done $0x0  }
0xa5: {  	s25 =	simm.s32 $0x1B8E;
	s24 =	sld [smem:$0x3FFE];
	[sflag:s23] =	ssyncadd.s32 $0xFFFFFFFF  }
0xa6: {  	s26 =	simm.s32 $execute0_lowered;
	[smem:$0x3FD2] =	sst s25  }
0xa7: {  	s6 =	sshll.u32 s26, $0x1;
	_ =	strace $0x80000046;
	[dreg:$0x1] =	wrdreg $0xFFFFFFFF  }
0xa8: {  	s28 =	simm.s32 $_size_execute0_lowered;
	s4 =	sadd.s32 s4, s6;
	[dreg:$0x0] =	wrdreg $0x0  }
0xa9: {  	s6 =	sshll.u32 s28, $0x1;
	[dreg:$0x2] =	wrdreg s4  }
0xaa: {  	[dreg:$0x3] =	wrdreg s6  }
0xab: {  	[dreg:$0x4] =	wrdreg $0xC0  }
0xac: {  	_ =	task [dreg:s8], $0x5FFFF  }
0xad: {  	[dreg:$0x1] =	wrdreg $0xFFFFFFFF  }
0xae: {  	[dreg:$0x0] =	wrdreg $0x60  }
0xaf: {  	[dreg:$0x2] =	wrdreg s2  }
0xb0: {  	[dreg:$0x3] =	wrdreg s24  }
0xb1: {  	[dreg:$0x4] =	wrdreg s18  }
0xb2: {  	[dreg:$0x5] =	wrdreg $0x2A000  }
0xb3: {  	[dreg:$0x6] =	wrdreg $0x16A000  }
0xb4: {  	[dreg:$0x7] =	wrdreg $0x9  }
0xb5: {  	_ =	task.clear_ibuf [dreg:s8], $0x8FFFF;
	_ =	strace $0x90000046  }
0xb6: {  	s29 =	simm.s32 $0x9;
	_ =	strace $0x80000048  }
0xb7: {  	_ =	swait.ge [sflag:s29], $0x1  }
0xb8: {  	[sflag:s29] =	ssyncadd.s32 $0xFFFFFFFF  }
0xb9: {  	_ =	strace $0x90000048  }
0xba: {  	_ =	sfence  }
0xbb: {  	s30 =	sld [smem:$0x0];
	_ =	sdelay $0x2  }
0xbc: {  	s31 =	sshll.u32 s1, $0xD;
	s1 =	sshrl.u32 s1, $0x2  }
0xbd: {  	s3 =	sand.u32 $0x4000, s31;
	s1 =	sadd.s32 s1, s30  }
0xbe: {  	s0 =	sor.u32 s3, s0;
	s1 =	sshll.u32 s1, $0x11  }
0xbf: {  	s0 =	sor.u32 s1, s0  }
0xc0: {  	s0 =	sadd.s32 $0x8F2B, s0  }
0xc1: {  	[sflag:s0] =	ssyncadd.remote.s32 $0x1  }
0xc2: {  	_ =	sfence.sel $0xFFFF  }
0xc3: {  	[dreg:$0x0] =	wrdreg $0xFFFFFFFF;
	(pc) =	sbr.abs _section_cstart, $3  }
0xc4: {  	[dreg:$0x1] =	wrdreg $0xFFFFFFFF  }
0xc5: {  	_ =	task.clear_ibuf [dreg:s8], $0x2FFFF;
	_ =	strace $0x9FFFFFFF  }
0xc6: {  	(tm) =	ssettm $0x7FFFFFFF  }
0xc7: {  	_ =	shalt  }
tec
execute0_lowered:
.L_overlay_start_1:
0x0: {  	(tag) =	ssettag $0x1  }
0x1: {  	s1 =	rddreg [dreg:$0x0]  }
0x2: {  	s0 =	rddreg [dreg:$0x1]  }
0x3: {  	s2 =	srdreg.scid;
	s13 =	stileid.u32  }
0x4: {  	s6 =	rddreg [dreg:$0x2];
	s7 =	smul.u32 $0x4E20, s13  }
0x5: {  	s3 =	rddreg [dreg:$0x3];
	s10 =	smul.u32 $0x14000, s13  }
0x6: {  	s4 =	rddreg [dreg:$0x4];
	s12 =	smul.u32 $0x500, s13  }
0x7: {  	s5 =	simm.s32 $0x0;
	s28 =	simm.s32 $0x100;
	s15 =	smul.u32 $0x50000, s13  }
0x8: {  	s29 =	simm.s32 $0x2;
	s2 =	sand.u32 $0x1, s2;
	s21 =	smul.u32 $0x280, s13  }
0x9: {  	s30 =	simm.s32 $0x2980;
	[smem:$0x7FF] =	sst s5;
	s8 =	smul.u32 $0x2710, s2  }
0xa: {  	s31 =	simm.s32 $0x80;
	s9 =	smul.u32 $0x140000, s2;
	_ =	strace $0x80000047  }
0xb: {  	s14 =	sshll.u32 s2, $0x7;
	s2 =	ssub.s32 $0x2, s2;
	s16 =	sshrl.u32 s15, $0x2  }
0xc: {  	s17 =	sor.u32 $0x50, s21;
	s19 =	sadd.s32 $0xA0, s21;
	s23 =	sadd.s32 $0xF0, s21  }
0xd: {  	s25 =	sadd.s32 $0x140, s21;
	s13 =	sadd.s32 $0x1E0, s21;
	s7 =	sadd.s32 s8, s7  }
0xe: {  	s26 =	sadd.s32 s10, s9;
	s8 =	sor.u32 s14, s12;
	s12 =	sshrl.u32 s2, $0x1  }
0xf: {  	s18 =	sshll.u32 s17, $0x7;
	s20 =	sadd.s32 s17, s4;
	s22 =	sshll.u32 s19, $0x7  }
0x10: {  	s24 =	sshll.u32 s23, $0x7;
	s14 =	sadd.s32 $0x230, s21;
	s10 =	sshrl.u32 s7, $0x3  }
0x11: {  	s9 =	sshrl.u32 s26, $0x3;
	s8 =	sshrl.u32 s8, $0x3;
	s2 =	ssub.s32 s2, s12  }
0x12: {  	[dreg:$0xa] =	wrdreg s20;
	s15 =	sadd.s32 s24, s3;
	s26 =	sadd.s32 $0x190, s21  }
0x13: {  	s12 =	sshll.u32 s25, $0x7;
	s11 =	sadd.s32 s10, s0;
	s7 =	sadd.s32 s9, s0  }
0x14: {  	s0 =	sadd.s32 s8, s0;
	s9 =	sadd.s32 s21, s4;
	s2 =	smax.u32 s2, $0x1  }
0x15: {  	s17 =	sadd.s32 s12, s3;
	s20 =	sadd.s32 s26, s4;
	s21 =	sadd.s32 s10, s6  }
0x16: {  	s6 =	simm.s32 $0x2900;
	s7 =	sadd.s32 $0xB800, s7;
	[dreg:$0x8] =	wrdreg s2  }
0x17: {  	s8 =	simm.s32 $0x0;
	s0 =	sadd.s32 $0xAE00, s0;
	[dreg:$0x6] =	wrdreg s7  }
0x18: {  	s2 =	sadd.s32 s22, s3;
	s7 =	sadd.s32 s16, s3;
	[dreg:$0x7] =	wrdreg s0  }
0x19: {  	s0 =	sadd.s32 s18, s3;
	[dreg:$0xb] =	wrdreg s2;
	s16 =	sadd.s32 s23, s4  }
0x1a: {  	s18 =	sadd.s32 s25, s4;
	s25 =	sshll.u32 s13, $0x7;
	s23 =	sadd.s32 s13, s4  }
0x1b: {  	s2 =	simm.s32 $0x50;
	[dreg:$0x9] =	wrdreg s0;
	s0 =	sadd.s32 s19, s4  }
0x1c: {  	s19 =	sshll.u32 s26, $0x7;
	s26 =	sshll.u32 s14, $0x7;
	s22 =	sadd.s32 s25, s3  }
0x1d: {  	s25 =	sadd.s32 s14, s4;
	[dreg:$0xc] =	wrdreg s0;
	s19 =	sadd.s32 s19, s3  }
0x1e: {  	v0 =	vimm.f32 $1.000000000e+00;
	v1 =	vimm.f32 $0.0e+00;
	s24 =	sadd.s32 s26, s3;
	s26 =	sadd.s32 $0x1000, s11;
	s0 =	simm.s32 $0x1  }
.LBB2_1:
0x1f: {  	[tilespmem:$0x2900] =	vst v0  }
0x20: {  	[tilespmem:$0x2980] =	vst v1  }
0x21: {  	[tilespmem:$0x2910] =	vst v0  }
0x22: {  	[tilespmem:$0x2990] =	vst v1  }
0x23: {  	[tilespmem:$0x2920] =	vst v0  }
0x24: {  	[tilespmem:$0x29A0] =	vst v1  }
0x25: {  	[tilespmem:$0x2930] =	vst v0  }
0x26: {  	[tilespmem:$0x29B0] =	vst v1  }
0x27: {  	[tilespmem:$0x2940] =	vst v0  }
0x28: {  	[tilespmem:$0x29C0] =	vst v1;
	s10 =	simm.s32 $0x0;
	s11 =	simm.s32 $0x200  }
.LBB2_2:
0x29: {  	p0 =	sne.s32 s11, $0x9E00;
	[tilespmem:s10+$0x170] =	vst v1  }
0x2a: {  	[tilespmem:s10+$0x100] =	vst v1  }
0x2b: {  	[tilespmem:s10+$0x110] =	vst v1  }
.Ltmp0:
0x2c: {  	[tilespmem:s10+$0x120] =	vst v1;
	(pc) =	sbr.rel @p0 .LBB2_2-.Ltmp0, $4  }
0x2d: {  	[tilespmem:s10+$0x130] =	vst v1  }
0x2e: {  	[tilespmem:s10+$0x140] =	vst v1  }
0x2f: {  	[tilespmem:s10+$0x150] =	vst v1  }
0x30: {  	[tilespmem:s10+$0x160] =	vst v1;
	s10 =	sshra.s32 s11, $0x2;
	s11 =	sadd.s32 $0x200, s11  }
0x31: {  	[tilespmem:s10+$0x170] =	vst v1  }
0x32: {  	[tilespmem:s10+$0x100] =	vst v1  }
0x33: {  	[tilespmem:s10+$0x110] =	vst v1  }
0x34: {  	[tilespmem:s10+$0x120] =	vst v1  }
0x35: {  	[tilespmem:s10+$0x130] =	vst v1  }
0x36: {  	[tilespmem:s10+$0x140] =	vst v1  }
0x37: {  	[tilespmem:s10+$0x150] =	vst v1  }
0x38: {  	[tilespmem:s10+$0x160] =	vst v1  }
0x39: {  	[spmem:s7] =	stream.linear.scatter [tilespmem:s28], [sflag:$0x2], $0x2800, $0x38;
	[tilespmem:$0x16C80] =	vst v63  }
0x3a: {  	_ =	swait.ge [sflag:s29], $0x2800  }
0x3b: {  	[sflag:s29] =	ssyncset.done $0x0  }
0x3c: {  	[sflag:s29] =	ssyncadd.s32 $0xFFFFD800  }
0x3d: {  	[spmem:s9] =	stream.linear.scatter [tilespmem:s30], [sflag:$0x2], $0x50, $0x38;
	[tilespmem:$0x16C80] =	vst v63  }
0x3e: {  	_ =	swait.ge [sflag:s29], $0x50  }
0x3f: {  	[sflag:s29] =	ssyncset.done $0x0  }
0x40: {  	s13 =	rddreg [dreg:$0x9];
	[sflag:s29] =	ssyncadd.s32 $0xFFFFFFB0  }
0x41: {  	[spmem:s13] =	stream.linear.scatter [tilespmem:s28], [sflag:$0x2], $0x2800, $0x38;
	[tilespmem:$0x16C80] =	vst v63  }
0x42: {  	_ =	swait.ge [sflag:s29], $0x2800  }
0x43: {  	[sflag:s29] =	ssyncset.done $0x0  }
0x44: {  	s14 =	rddreg [dreg:$0xa];
	[sflag:s29] =	ssyncadd.s32 $0xFFFFD800  }
0x45: {  	[spmem:s14] =	stream.linear.scatter [tilespmem:s30], [sflag:$0x2], $0x50, $0x38;
	[tilespmem:$0x16C80] =	vst v63  }
0x46: {  	_ =	swait.ge [sflag:s29], $0x50  }
0x47: {  	[sflag:s29] =	ssyncset.done $0x0  }
0x48: {  	s11 =	rddreg [dreg:$0xb];
	[sflag:s29] =	ssyncadd.s32 $0xFFFFFFB0  }
0x49: {  	[spmem:s11] =	stream.linear.scatter [tilespmem:s28], [sflag:$0x2], $0x2800, $0x38;
	[tilespmem:$0x16C80] =	vst v63  }
0x4a: {  	_ =	swait.ge [sflag:s29], $0x2800  }
0x4b: {  	[sflag:s29] =	ssyncset.done $0x0  }
0x4c: {  	s12 =	rddreg [dreg:$0xc];
	[sflag:s29] =	ssyncadd.s32 $0xFFFFD800  }
0x4d: {  	[spmem:s12] =	stream.linear.scatter [tilespmem:s30], [sflag:$0x2], $0x50, $0x38;
	[tilespmem:$0x16C80] =	vst v63  }
0x4e: {  	_ =	swait.ge [sflag:s29], $0x50  }
0x4f: {  	[sflag:s29] =	ssyncset.done $0x0  }
0x50: {  	[sflag:s29] =	ssyncadd.s32 $0xFFFFFFB0  }
0x51: {  	[spmem:s15] =	stream.linear.scatter [tilespmem:s28], [sflag:$0x2], $0x2800, $0x38;
	[tilespmem:$0x16C80] =	vst v63  }
0x52: {  	_ =	swait.ge [sflag:s29], $0x2800  }
0x53: {  	[sflag:s29] =	ssyncset.done $0x0  }
0x54: {  	[sflag:s29] =	ssyncadd.s32 $0xFFFFD800  }
0x55: {  	[spmem:s16] =	stream.linear.scatter [tilespmem:s30], [sflag:$0x2], $0x50, $0x38;
	[tilespmem:$0x16C80] =	vst v63  }
0x56: {  	_ =	swait.ge [sflag:s29], $0x50  }
0x57: {  	[sflag:s29] =	ssyncset.done $0x0  }
0x58: {  	[sflag:s29] =	ssyncadd.s32 $0xFFFFFFB0  }
0x59: {  	[spmem:s17] =	stream.linear.scatter [tilespmem:s28], [sflag:$0x2], $0x2800, $0x38;
	[tilespmem:$0x16C80] =	vst v63  }
0x5a: {  	_ =	swait.ge [sflag:s29], $0x2800  }
0x5b: {  	[sflag:s29] =	ssyncset.done $0x0  }
0x5c: {  	[sflag:s29] =	ssyncadd.s32 $0xFFFFD800  }
0x5d: {  	[spmem:s18] =	stream.linear.scatter [tilespmem:s30], [sflag:$0x2], $0x50, $0x38;
	[tilespmem:$0x16C80] =	vst v63  }
0x5e: {  	_ =	swait.ge [sflag:s29], $0x50  }
0x5f: {  	[sflag:s29] =	ssyncset.done $0x0  }
0x60: {  	[sflag:s29] =	ssyncadd.s32 $0xFFFFFFB0  }
0x61: {  	[spmem:s19] =	stream.linear.scatter [tilespmem:s28], [sflag:$0x2], $0x2800, $0x38;
	[tilespmem:$0x16C80] =	vst v63  }
0x62: {  	_ =	swait.ge [sflag:s29], $0x2800  }
0x63: {  	[sflag:s29] =	ssyncset.done $0x0  }
0x64: {  	[sflag:s29] =	ssyncadd.s32 $0xFFFFD800  }
0x65: {  	[spmem:s20] =	stream.linear.scatter [tilespmem:s30], [sflag:$0x2], $0x50, $0x38;
	[tilespmem:$0x16C80] =	vst v63  }
0x66: {  	_ =	swait.ge [sflag:s29], $0x50  }
0x67: {  	[sflag:s29] =	ssyncset.done $0x0  }
0x68: {  	[sflag:s29] =	ssyncadd.s32 $0xFFFFFFB0  }
0x69: {  	[spmem:s22] =	stream.linear.scatter [tilespmem:s28], [sflag:$0x2], $0x2800, $0x38;
	[tilespmem:$0x16C80] =	vst v63  }
0x6a: {  	_ =	swait.ge [sflag:s29], $0x2800  }
0x6b: {  	[sflag:s29] =	ssyncset.done $0x0  }
0x6c: {  	[sflag:s29] =	ssyncadd.s32 $0xFFFFD800  }
0x6d: {  	[spmem:s23] =	stream.linear.scatter [tilespmem:s30], [sflag:$0x2], $0x50, $0x38;
	[tilespmem:$0x16C80] =	vst v63  }
0x6e: {  	_ =	swait.ge [sflag:s29], $0x50  }
0x6f: {  	[sflag:s29] =	ssyncset.done $0x0  }
0x70: {  	[sflag:s29] =	ssyncadd.s32 $0xFFFFFFB0  }
0x71: {  	[spmem:s24] =	stream.linear.scatter [tilespmem:s28], [sflag:$0x2], $0x2800, $0x38;
	[tilespmem:$0x16C80] =	vst v63  }
0x72: {  	_ =	swait.ge [sflag:s29], $0x2800  }
0x73: {  	[sflag:s29] =	ssyncset.done $0x0  }
0x74: {  	[sflag:s29] =	ssyncadd.s32 $0xFFFFD800  }
0x75: {  	[spmem:s25] =	stream.linear.scatter [tilespmem:s30], [sflag:$0x2], $0x50, $0x38;
	[tilespmem:$0x16C80] =	vst v63  }
0x76: {  	_ =	swait.ge [sflag:s29], $0x50  }
0x77: {  	[sflag:s29] =	ssyncset.done $0x0  }
0x78: {  	[sflag:s29] =	ssyncadd.s32 $0xFFFFFFB0  }
0x79: {  	s13 =	sadd.s32 $0x0, s26;
	[bflag:$0x0] =	sbarrier.arrive $0xFFFF  }
0x7a: {  	[tilespmem:s5], [sflag:$0x2] =	stream.linear.gather [hbm4b:s13+s5], $0x50, $0x38;
	[tilespmem:$0x16C80] =	vst v63  }
0x7b: {  	_ =	swait.ge [sflag:s29], $0x50  }
0x7c: {  	[sflag:s29] =	ssyncset.done $0x0  }
0x7d: {  	s14 =	sadd.s32 $0x0, s21;
	[sflag:s29] =	ssyncadd.s32 $0xFFFFFFB0  }
0x7e: {  	[tilespmem:s31], [sflag:$0x2] =	stream.linear.gather [hbm4b:s14+s5], $0x50, $0x38;
	[tilespmem:$0x16C80] =	vst v63  }
0x7f: {  	_ =	swait.ge [sflag:s29], $0x50  }
0x80: {  	[sflag:s29] =	ssyncset.done $0x0  }
0x81: {  	[sflag:s29] =	ssyncadd.s32 $0xFFFFFFB0  }
0x82: {  	[tilespmem:s28], [sflag:$0x1] =	stream.indirect.gather [hbm4b:s1+s2], $0x80, s5, s2, $0xb8;
	[tilespmem:$0x16C80] =	vst v63  }
0x83: {  	_ =	swait.ge [sflag:s0], $0x2800  }
0x84: {  	[sflag:s0] =	ssyncset.done $0x0  }
0x85: {  	[sflag:s0] =	ssyncadd.s32 $0xFFFFD800  }
0x86: {  	[spmem:s3] =	stream.indirect.scatter.add.f32 [tilespmem:s28], [sflag:$0x2], $0x80, s31, s2, $0xb8;
	[tilespmem:$0x16C80] =	vst v63  }
0x87: {  	_ =	swait.ge [sflag:s29], $0x2800  }
0x88: {  	[sflag:s29] =	ssyncset.done $0x0  }
0x89: {  	[sflag:s29] =	ssyncadd.s32 $0xFFFFD800  }
0x8a: {  	[spmem:s4] =	stream.indirect.scatter.add.f32 [tilespmem:s6], [sflag:$0x2], $0x1, s31, s2, $0xb8;
	[tilespmem:$0x16C80] =	vst v63  }
0x8b: {  	_ =	swait.ge [sflag:s29], $0x50  }
0x8c: {  	s10 =	simm.s32 $0xA;
	s11 =	simm.s32 $0x14;
	[sflag:s29] =	ssyncset.done $0x0  }
.LBB2_4:
0x8d: {  	s12 =	sadd.s32 s10, s26  }
0x8e: {  	[sflag:s29] =	ssyncadd.s32 $0xFFFFFFB0;
	s13 =	smov.u32 s11;
	s14 =	sadd.s32 $0xA, s11  }
0x8f: {  	[tilespmem:s5], [sflag:$0x2] =	stream.linear.gather [hbm4b:s12+s5], $0x50, $0x38;
	[tilespmem:$0x16C80] =	vst v63  }
0x90: {  	p0 =	sne.s32 s11, $0x4D8;
	_ =	swait.ge [sflag:s29], $0x50  }
0x91: {  	[sflag:s29] =	ssyncset.done $0x0  }
0x92: {  	s11 =	sadd.s32 s10, s21;
	s10 =	smov.u32 s13;
	[sflag:s29] =	ssyncadd.s32 $0xFFFFFFB0  }
0x93: {  	[tilespmem:s31], [sflag:$0x2] =	stream.linear.gather [hbm4b:s11+s5], $0x50, $0x38;
	[tilespmem:$0x16C80] =	vst v63  }
0x94: {  	_ =	swait.ge [sflag:s29], $0x50  }
0x95: {  	[sflag:s29] =	ssyncset.done $0x0  }
0x96: {  	[sflag:s29] =	ssyncadd.s32 $0xFFFFFFB0  }
0x97: {  	[tilespmem:s28], [sflag:$0x1] =	stream.indirect.gather [hbm4b:s1+s2], $0x80, s5, s2, $0xb8;
	[tilespmem:$0x16C80] =	vst v63  }
0x98: {  	_ =	swait.ge [sflag:s0], $0x2800  }
0x99: {  	[sflag:s0] =	ssyncset.done $0x0  }
0x9a: {  	[sflag:s0] =	ssyncadd.s32 $0xFFFFD800  }
0x9b: {  	[spmem:s3] =	stream.indirect.scatter.add.f32 [tilespmem:s28], [sflag:$0x2], $0x80, s31, s2, $0xb8;
	[tilespmem:$0x16C80] =	vst v63  }
0x9c: {  	_ =	swait.ge [sflag:s29], $0x2800  }
.Ltmp1:
0x9d: {  	[sflag:s29] =	ssyncset.done $0x0;
	(pc) =	sbr.rel @p0 .LBB2_4-.Ltmp1, $4  }
0x9e: {  	[sflag:s29] =	ssyncadd.s32 $0xFFFFD800  }
0x9f: {  	[spmem:s4] =	stream.indirect.scatter.add.f32 [tilespmem:s6], [sflag:$0x2], $0x1, s31, s2, $0xb8;
	[tilespmem:$0x16C80] =	vst v63  }
0xa0: {  	_ =	swait.ge [sflag:s29], $0x50  }
0xa1: {  	s11 =	smov.u32 s14;
	[sflag:s29] =	ssyncset.done $0x0  }
0xa2: {  	s11 =	sadd.s32 s10, s26;
	[sflag:s29] =	ssyncadd.s32 $0xFFFFFFB0  }
0xa3: {  	[tilespmem:s5], [sflag:$0x2] =	stream.linear.gather [hbm4b:s11+s5], $0x50, $0x38;
	[tilespmem:$0x16C80] =	vst v63  }
0xa4: {  	_ =	swait.ge [sflag:s29], $0x50  }
0xa5: {  	[sflag:s29] =	ssyncset.done $0x0  }
0xa6: {  	s11 =	sadd.s32 s10, s21;
	[sflag:s29] =	ssyncadd.s32 $0xFFFFFFB0  }
0xa7: {  	[tilespmem:s31], [sflag:$0x2] =	stream.linear.gather [hbm4b:s11+s5], $0x50, $0x38;
	[tilespmem:$0x16C80] =	vst v63  }
0xa8: {  	_ =	swait.ge [sflag:s29], $0x50  }
0xa9: {  	[sflag:s29] =	ssyncset.done $0x0  }
0xaa: {  	[sflag:s29] =	ssyncadd.s32 $0xFFFFFFB0  }
0xab: {  	[tilespmem:s28], [sflag:$0x1] =	stream.indirect.gather [hbm4b:s1+s2], $0x80, s5, s2, $0xb8;
	[tilespmem:$0x16C80] =	vst v63  }
0xac: {  	_ =	swait.ge [sflag:s0], $0x2800  }
0xad: {  	[sflag:s0] =	ssyncset.done $0x0  }
0xae: {  	[sflag:s0] =	ssyncadd.s32 $0xFFFFD800  }
0xaf: {  	[spmem:s3] =	stream.indirect.scatter.add.f32 [tilespmem:s28], [sflag:$0x2], $0x80, s31, s2, $0xb8;
	[tilespmem:$0x16C80] =	vst v63  }
0xb0: {  	_ =	swait.ge [sflag:s29], $0x2800  }
0xb1: {  	[sflag:s29] =	ssyncset.done $0x0  }
0xb2: {  	[sflag:s29] =	ssyncadd.s32 $0xFFFFD800  }
0xb3: {  	[spmem:s4] =	stream.indirect.scatter.add.f32 [tilespmem:s6], [sflag:$0x2], $0x1, s31, s2, $0xb8;
	[tilespmem:$0x16C80] =	vst v63  }
0xb4: {  	_ =	swait.ge [sflag:s29], $0x50  }
0xb5: {  	[sflag:s29] =	ssyncset.done $0x0  }
0xb6: {  	s12 =	stileid.u32;
	[sflag:s29] =	ssyncadd.s32 $0xFFFFFFB0  }
0xb7: {  	s10 =	sshll.u32 s12, $0x6;
	[bflag:$0x0] =	sbarrier.arrive $0xFFFF  }
0xb8: {  	s13 =	sshrl.u32 s7, $0x3;
	s10 =	sor.u32 $0x1C02, s10;
	s12 =	rddreg [dreg:$0x6]  }
0xb9: {  	[hbm:s12], [sflag:s10] =	dma.local [spmem:s13], $0x2800  }
0xba: {  	_ =	swait.ge [sflag:s29], $0x2800  }
0xbb: {  	s14 =	simm.s32 $0x10;
	s11 =	sshrl.u32 s9, $0x3;
	[sflag:s29] =	ssyncset.done $0x0  }
0xbc: {  	s13 =	simm.s32 $0x20;
	s12 =	rddreg [dreg:$0x7];
	[sflag:s29] =	ssyncadd.s32 $0xFFFFD800  }
0xbd: {  	[hbm:s12@s13], [sflag:s10] =	dma.strided [spmem:s11@s14], $0x50, s0, $0x10   }
0xbe: {  	_ =	swait.ge [sflag:s29], $0x50  }
0xbf: {  	s8 =	sadd.s32 $0x1, s8;
	s14 =	rddreg [dreg:$0x8]  }
0xc0: {  	p0 =	sne.s32 s8, s14  }
.Ltmp2:
0xc1: {  	_ = 	snop;
	(pc) =	sbr.rel @p0 .LBB2_1-.Ltmp2, $3  }
0xc2: {  	_ =	sdelay $0x1  }
0xc3: {  	[sflag:s29] =	ssyncset.done $0x0  }
0xc4: {  	[sflag:s29] =	ssyncadd.s32 $0xFFFFFFB0  }
0xc5: {  	_ =	sfence.sel $0x180000  }
0xc6: {  	[bflag:$0x0] =	sbarrier.arrive $0xFFFF  }
0xc7: {  	_ =	strace $0x90000047  }
0xc8: {  	s0 =	stileid.u32;
	[bflag:$0x2] =	sbarrier.arrive $0xFFFF  }
0xc9: {  	p0 =	sne.s32 s0, $0x0;
	s0 =	rddreg [dreg:$0x5]  }
0xca: {  	s0 =	sadd.s32 @!p0 $0x100000, s0  }
0xcb: {  	[sflag:s0] =	ssyncadd.tile.s32 @!p0 $0x1;
	_ =	shalt  }
.Lfunc_end2:
_tile_overlayer_lowered:
.L_overlay_start_2:
0xcc: {  	(tag) =	ssettag $0x2  }
0xcd: {  	s0 =	rddreg [dreg:$0x0];
	s2 =	stileid.u32  }
0xce: {  	s1 =	rddreg [dreg:$0x1];
	p0 =	sne.s32 s2, $0x0  }
0xcf: {  	s3 =	rddreg [dreg:$0x2];
	[bflag:$0x3] =	sbarrier.arrive $0xFFFF;
	s2 =	simm.s32 @!p0 $0x1C02  }
0xd0: {  	[timem:s3], [sflag:s2] =	dma.local @!p0 [hbm:s0], s1  }
0xd1: {  	s0 =	simm.s32 @!p0 $0x2  }
0xd2: {  	_ =	swait.ge @!p0 [sflag:s0], s1  }
0xd3: {  	s1 =	ssub.s32 @!p0 $0x0, s1;
	[sflag:s0] =	ssyncset.done @!p0 $0x0  }
0xd4: {  	[sflag:s0] =	ssyncadd.s32 @!p0 s1  }
0xd5: {  	[bflag:$0x3] =	sbarrier.arrive $0xFFFF  }
0xd6: {  	_ =	shalt  }

</sc_bundles>
